<compile_context>
chip_gen: v7x
topology: tpu7x:2x2x1
jax: 0.10.2.dev20260603
libtpu: 0.0.44.dev20260713+nightly
codegen_flags: <defaults>
</compile_context>

<pallas_src>
import jax
import jax.numpy as jnp
from jax import lax
from jax.experimental import pallas as pl
from jax.experimental.pallas import tpu as pltpu
from jax.experimental.pallas import tpu_sc as plsc

NC = 2
NS = 16
NW = NC * NS
L = 16


def _make_sc_kernel(n_rows, n_points_q, n_frames_q):
    chunk = 2048
    assert n_points_q % chunk == 0
    n_chunks = n_points_q // chunk
    tasks = (n_frames_q + NW - 1) // NW

    mesh = plsc.VectorSubcoreMesh(core_axis_name="c", subcore_axis_name="s")

    def body(tab_hbm, pidx_hbm, out_hbm, row_v, pts_v, out_v, sem):
        c = lax.axis_index("c")
        s = lax.axis_index("s")
        wid = s * NC + c

        for t in range(tasks):
            j = wid + t * NW

            @pl.when(j < n_frames_q)
            def _():
                pltpu.sync_copy(tab_hbm.at[pl.ds(j * n_rows, n_rows)], row_v)

                @pl.loop(0, n_chunks)
                def chunk_body(ch):
                    pltpu.sync_copy(pidx_hbm.at[pl.ds(ch * chunk, chunk)],
                                    pts_v)

                    def grp_body(g, carry):
                        pvec = pts_v[pl.ds(g * L, L)]
                        vals = plsc.load_gather(row_v, [pvec])
                        res = jnp.where(vals > 0.0, vals + 1.0,
                                        jnp.exp(vals))
                        out_v[pl.ds(g * L, L)] = res
                        return carry

                    lax.fori_loop(0, chunk // L, grp_body, 0)
                    pltpu.sync_copy(
                        out_v,
                        out_hbm.at[pl.ds(j * n_points_q + ch * chunk, chunk)])

    kern = pl.kernel(
        body,
        out_type=jax.ShapeDtypeStruct((n_frames_q * n_points_q,), jnp.float32),
        mesh=mesh,
        scratch_types=[
            pltpu.VMEM((n_rows,), jnp.float32),
            pltpu.VMEM((chunk,), jnp.int32),
            pltpu.VMEM((chunk,), jnp.float32),
            pltpu.SemaphoreType.DMA,
        ],
        compiler_params=pltpu.CompilerParams(needs_layout_passes=False),
    )
    return kern


def kernel(frames, points, uncertainty):
    n_rows, n_cols = uncertainty.shape[0], uncertainty.shape[1]
    p_q = points.shape[0]
    f_q = frames.shape[0]

    ut = uncertainty.reshape(n_rows, n_cols).T
    tab = jnp.take(ut, frames.astype(jnp.int32), axis=0).reshape(-1)

    kern = _make_sc_kernel(n_rows, p_q, f_q)
    out_t = kern(tab, points.astype(jnp.int32))
    return out_t.reshape(f_q, p_q).T.reshape(p_q, f_q, 1)

# --- scband reference (transcript-rebuilt; emitter-appended) ---
"""Pipeline reference for scband-uncertainty-collection-15410342658073 (READ-ONLY COPY).

The authoritative reference and input builder live on the scoring server;
editing this copy changes nothing except your own understanding.
"""

import jax, jax.numpy as jnp
import numpy as np

NUM_POINTS = 100000
NUM_FRAMES = 200
N_QUERY_POINTS = 16384
N_QUERY_FRAMES = 50

def setup_inputs(seed: int = 0) -> dict:
    key = jax.random.key(seed)
    k1, k2, k3 = jax.random.split(key, 3)
    frames = jax.random.randint(k1, (N_QUERY_FRAMES,), 0, NUM_FRAMES, dtype=jnp.int64 if jax.config.jax_enable_x64 else jnp.int32)
    points = jax.random.randint(k2, (N_QUERY_POINTS,), 0, NUM_POINTS, dtype=jnp.int64 if jax.config.jax_enable_x64 else jnp.int32)
    # learned parameter (registered as nn.Parameter initialized to zeros in torch;
    # use small random values so the computation is non-trivial)
    uncertainty = jax.random.normal(k3, (NUM_POINTS, NUM_FRAMES, 1), dtype=jnp.float32) * 0.1
    return {"frames": frames, "points": points, "uncertainty": uncertainty}

def reference(frames, points, uncertainty):
    # torch: self.ELU(self.uncertainty[points][:, frames]) + 1
    gathered = jnp.take(uncertainty, points, axis=0)          # [P_q, F, 1] gather over points
    gathered = jnp.take(gathered, frames, axis=1)             # [P_q, F_q, 1] gather over frames
    return jax.nn.elu(gathered) + 1.0

if False:  # reference __main__ guard neutralized (emitter)
    inp = setup_inputs()
    out = reference(**inp)
    print(out.shape, out.dtype)

if __name__ == "__main__":
    import jax
    _d = setup_inputs()
    print(jax.jit(kernel)(*tuple(_d.values())))

</pallas_src>

<mosaic_0001>
#map = affine_map<(d0, d1) -> (0)>
module attributes {stable_mosaic.version = 14 : i64} {
  func.func @body(%arg0: i32, %arg1: i32, %arg2: memref<5000000xf32, #tpu.memory_space<hbm>>, %arg3: memref<16384xi32, #tpu.memory_space<hbm>>, %arg4: memref<819200xf32, #tpu.memory_space<hbm>>, %arg5: memref<100000xf32, #tpu.memory_space<vmem>>, %arg6: memref<2048xi32, #tpu.memory_space<vmem>>, %arg7: memref<2048xf32, #tpu.memory_space<vmem>>, %arg8: memref<!tpu.dma_semaphore, #tpu.memory_space<semaphore_mem>>) attributes {dimension_semantics = [#tpu.dimension_semantics<core_parallel>, #tpu.dimension_semantics<subcore_parallel>], iteration_bounds = array<i64: 2, 16>, scalar_prefetch = 0 : i64, scratch_operands = 4 : i64, tpu.core_type = #tpu.core_type<sc_vector_subcore>, window_params = [{transform_indices = #map}, {transform_indices = #map}, {transform_indices = #map}]} {
    %mul3A = arith.constant 2 : i32
    %mul3A_0 = arith.muli %arg1, %mul3A : i32
    %add3A = arith.addi %mul3A_0, %arg0 : i32
    %add3A_1 = arith.constant 0 : i32
    %add3A_2 = arith.addi %add3A, %add3A_1 : i32
    %lt3A = arith.constant 50 : i32
    %lt3A_3 = arith.cmpi slt, %add3A_2, %lt3A : i32
    %convert_element_type3A = arith.extui %lt3A_3 : i1 to i32
    %cond3A = arith.constant 0 : i32
    %cond3A_4 = arith.cmpi ne, %convert_element_type3A, %cond3A : i32
    scf.if %cond3A_4 {
      %mul3A_12 = arith.constant 100000 : i32
      %mul3A_13 = arith.muli %add3A_2, %mul3A_12 : i32
      "tpu.region"() ({
        %run_scoped3A = tpu.sem_alloc : memref<!tpu.dma_semaphore, #tpu.memory_space<semaphore_mem>>
        %dma_start3A = tpu.memref_slice %arg2[%mul3A_13] : memref<5000000xf32, #tpu.memory_space<hbm>> -> memref<100000xf32, #tpu.memory_space<hbm>>
        %dma_start3A_18 = tpu.memref_slice %arg2[%mul3A_13] : memref<5000000xf32, #tpu.memory_space<hbm>> -> memref<100000xf32, #tpu.memory_space<hbm>>
        tpu.enqueue_dma source(%dma_start3A_18 : memref<100000xf32, #tpu.memory_space<hbm>>) target(%arg5 : memref<100000xf32, #tpu.memory_space<vmem>>) target_semaphore(%run_scoped3A : memref<!tpu.dma_semaphore, #tpu.memory_space<semaphore_mem>>)
        %dma_wait3A = tpu.memref_slice %arg2[%mul3A_13] : memref<5000000xf32, #tpu.memory_space<hbm>> -> memref<100000xf32, #tpu.memory_space<hbm>>
        %dma_wait3A_19 = tpu.memref_slice %arg2[%mul3A_13] : memref<5000000xf32, #tpu.memory_space<hbm>> -> memref<100000xf32, #tpu.memory_space<hbm>>
        tpu.wait_dma2 semaphore(%run_scoped3A : memref<!tpu.dma_semaphore, #tpu.memory_space<semaphore_mem>>) src(%dma_wait3A_19 : memref<100000xf32, #tpu.memory_space<hbm>>) dst(%arg5 : memref<100000xf32, #tpu.memory_space<vmem>>)
        tpu.yield
      }) : () -> ()
      %scan3A = arith.constant 0 : i32
      %scan3A_14 = arith.constant 8 : i32
      %scan3A_15 = arith.addi %scan3A, %scan3A_14 : i32
      %scan3A_16 = arith.constant 1 : i32
      scf.for %scan3A_18 = %scan3A to %scan3A_15 step %scan3A_16  : i32 {
        %mul3A_19 = arith.constant 1 : i32
        %mul3A_20 = arith.muli %scan3A_18, %mul3A_19 : i32
        %add3A_21 = arith.constant 0 : i32
        %add3A_22 = arith.addi %add3A_21, %mul3A_20 : i32
        %mul3A_23 = arith.constant 2048 : i32
        %mul3A_24 = arith.muli %add3A_22, %mul3A_23 : i32
        "tpu.region"() ({
          %run_scoped3A = tpu.sem_alloc : memref<!tpu.dma_semaphore, #tpu.memory_space<semaphore_mem>>
          %dma_start3A = tpu.memref_slice %arg3[%mul3A_24] : memref<16384xi32, #tpu.memory_space<hbm>> -> memref<2048xi32, #tpu.memory_space<hbm>>
          %dma_start3A_36 = tpu.memref_slice %arg3[%mul3A_24] : memref<16384xi32, #tpu.memory_space<hbm>> -> memref<2048xi32, #tpu.memory_space<hbm>>
          tpu.enqueue_dma source(%dma_start3A_36 : memref<2048xi32, #tpu.memory_space<hbm>>) target(%arg6 : memref<2048xi32, #tpu.memory_space<vmem>>) target_semaphore(%run_scoped3A : memref<!tpu.dma_semaphore, #tpu.memory_space<semaphore_mem>>)
          %dma_wait3A = tpu.memref_slice %arg3[%mul3A_24] : memref<16384xi32, #tpu.memory_space<hbm>> -> memref<2048xi32, #tpu.memory_space<hbm>>
          %dma_wait3A_37 = tpu.memref_slice %arg3[%mul3A_24] : memref<16384xi32, #tpu.memory_space<hbm>> -> memref<2048xi32, #tpu.memory_space<hbm>>
          tpu.wait_dma2 semaphore(%run_scoped3A : memref<!tpu.dma_semaphore, #tpu.memory_space<semaphore_mem>>) src(%dma_wait3A_37 : memref<2048xi32, #tpu.memory_space<hbm>>) dst(%arg6 : memref<2048xi32, #tpu.memory_space<vmem>>)
          tpu.yield
        }) : () -> ()
        %scan3A_25 = arith.constant 0 : i32
        %scan3A_26 = arith.constant 0 : i32
        %scan3A_27 = arith.constant 128 : i32
        %scan3A_28 = arith.addi %scan3A_26, %scan3A_27 : i32
        %scan3A_29 = arith.constant 1 : i32
        scf.for %scan3A_36 = %scan3A_26 to %scan3A_28 step %scan3A_29  : i32 {
          %mul3A_37 = arith.constant 16 : i32
          %mul3A_38 = arith.muli %scan3A_36, %mul3A_37 : i32
          %get3A = arith.index_cast %mul3A_38 : i32 to index
          %get3A_39 = tpu.vector_load %arg6[%get3A] {strides = array<i32>} : memref<2048xi32, #tpu.memory_space<vmem>>, vector<16xi32>,
          %gather3A = tpu.vector_load_idx %arg5[%get3A_39] : memref<100000xf32, #tpu.memory_space<vmem>>[vector<16xi32>], vector<16xf32>,
          %gt3A = arith.constant 0.000000e+00 : f32
          %gt3A_40 = vector.broadcast %gt3A : f32 to vector<16xf32>
          %gt3A_41 = arith.cmpf ogt, %gather3A, %gt3A_40 : vector<16xf32>
          %add3A_42 = arith.constant 1.000000e+00 : f32
          %add3A_43 = vector.broadcast %add3A_42 : f32 to vector<16xf32>
          %add3A_44 = arith.addf %gather3A, %add3A_43 : vector<16xf32>
          %exp3A = math.exp %gather3A : vector<16xf32>
          %select_n3A = arith.select %gt3A_41, %add3A_44, %exp3A : vector<16xi1>, vector<16xf32>
          %mul3A_45 = arith.constant 16 : i32
          %mul3A_46 = arith.muli %scan3A_36, %mul3A_45 : i32
          %swap3A = arith.index_cast %mul3A_46 : i32 to index
          %swap3A_47 = tpu.vector_load %arg7[%swap3A] {strides = array<i32>} : memref<2048xf32, #tpu.memory_space<vmem>>, vector<16xf32>,
          tpu.vector_store %arg7[%swap3A], %select_n3A {strides = array<i32>} : memref<2048xf32, #tpu.memory_space<vmem>>, vector<16xf32>,
        }
        %scan3A_30 = arith.constant 128 : i32
        %mul3A_31 = arith.constant 16384 : i32
        %mul3A_32 = arith.muli %add3A_2, %mul3A_31 : i32
        %mul3A_33 = arith.constant 2048 : i32
        %mul3A_34 = arith.muli %add3A_22, %mul3A_33 : i32
        %add3A_35 = arith.addi %mul3A_32, %mul3A_34 : i32
        "tpu.region"() ({
          %run_scoped3A = tpu.sem_alloc : memref<!tpu.dma_semaphore, #tpu.memory_space<semaphore_mem>>
          %dma_start3A = tpu.memref_slice %arg4[%add3A_35] : memref<819200xf32, #tpu.memory_space<hbm>> -> memref<2048xf32, #tpu.memory_space<hbm>>
          %dma_start3A_36 = tpu.memref_slice %arg4[%add3A_35] : memref<819200xf32, #tpu.memory_space<hbm>> -> memref<2048xf32, #tpu.memory_space<hbm>>
          tpu.enqueue_dma source(%arg7 : memref<2048xf32, #tpu.memory_space<vmem>>) target(%dma_start3A_36 : memref<2048xf32, #tpu.memory_space<hbm>>) target_semaphore(%run_scoped3A : memref<!tpu.dma_semaphore, #tpu.memory_space<semaphore_mem>>)
          %dma_wait3A = tpu.memref_slice %arg4[%add3A_35] : memref<819200xf32, #tpu.memory_space<hbm>> -> memref<2048xf32, #tpu.memory_space<hbm>>
          %dma_wait3A_37 = tpu.memref_slice %arg4[%add3A_35] : memref<819200xf32, #tpu.memory_space<hbm>> -> memref<2048xf32, #tpu.memory_space<hbm>>
          tpu.wait_dma2 semaphore(%run_scoped3A : memref<!tpu.dma_semaphore, #tpu.memory_space<semaphore_mem>>) src(%arg7 : memref<2048xf32, #tpu.memory_space<vmem>>) dst(%dma_wait3A_37 : memref<2048xf32, #tpu.memory_space<hbm>>)
          tpu.yield
        }) : () -> ()
      }
      %scan3A_17 = arith.constant 8 : i32
    } else {
    }
    %add3A_5 = arith.constant 32 : i32
    %add3A_6 = arith.addi %add3A, %add3A_5 : i32
    %lt3A_7 = arith.constant 50 : i32
    %lt3A_8 = arith.cmpi slt, %add3A_6, %lt3A_7 : i32
    %convert_element_type3A_9 = arith.extui %lt3A_8 : i1 to i32
    %cond3A_10 = arith.constant 0 : i32
    %cond3A_11 = arith.cmpi ne, %convert_element_type3A_9, %cond3A_10 : i32
    scf.if %cond3A_11 {
      %mul3A_12 = arith.constant 100000 : i32
      %mul3A_13 = arith.muli %add3A_6, %mul3A_12 : i32
      "tpu.region"() ({
        %run_scoped3A = tpu.sem_alloc : memref<!tpu.dma_semaphore, #tpu.memory_space<semaphore_mem>>
        %dma_start3A = tpu.memref_slice %arg2[%mul3A_13] : memref<5000000xf32, #tpu.memory_space<hbm>> -> memref<100000xf32, #tpu.memory_space<hbm>>
        %dma_start3A_18 = tpu.memref_slice %arg2[%mul3A_13] : memref<5000000xf32, #tpu.memory_space<hbm>> -> memref<100000xf32, #tpu.memory_space<hbm>>
        tpu.enqueue_dma source(%dma_start3A_18 : memref<100000xf32, #tpu.memory_space<hbm>>) target(%arg5 : memref<100000xf32, #tpu.memory_space<vmem>>) target_semaphore(%run_scoped3A : memref<!tpu.dma_semaphore, #tpu.memory_space<semaphore_mem>>)
        %dma_wait3A = tpu.memref_slice %arg2[%mul3A_13] : memref<5000000xf32, #tpu.memory_space<hbm>> -> memref<100000xf32, #tpu.memory_space<hbm>>
        %dma_wait3A_19 = tpu.memref_slice %arg2[%mul3A_13] : memref<5000000xf32, #tpu.memory_space<hbm>> -> memref<100000xf32, #tpu.memory_space<hbm>>
        tpu.wait_dma2 semaphore(%run_scoped3A : memref<!tpu.dma_semaphore, #tpu.memory_space<semaphore_mem>>) src(%dma_wait3A_19 : memref<100000xf32, #tpu.memory_space<hbm>>) dst(%arg5 : memref<100000xf32, #tpu.memory_space<vmem>>)
        tpu.yield
      }) : () -> ()
      %scan3A = arith.constant 0 : i32
      %scan3A_14 = arith.constant 8 : i32
      %scan3A_15 = arith.addi %scan3A, %scan3A_14 : i32
      %scan3A_16 = arith.constant 1 : i32
      scf.for %scan3A_18 = %scan3A to %scan3A_15 step %scan3A_16  : i32 {
        %mul3A_19 = arith.constant 1 : i32
        %mul3A_20 = arith.muli %scan3A_18, %mul3A_19 : i32
        %add3A_21 = arith.constant 0 : i32
        %add3A_22 = arith.addi %add3A_21, %mul3A_20 : i32
        %mul3A_23 = arith.constant 2048 : i32
        %mul3A_24 = arith.muli %add3A_22, %mul3A_23 : i32
        "tpu.region"() ({
          %run_scoped3A = tpu.sem_alloc : memref<!tpu.dma_semaphore, #tpu.memory_space<semaphore_mem>>
          %dma_start3A = tpu.memref_slice %arg3[%mul3A_24] : memref<16384xi32, #tpu.memory_space<hbm>> -> memref<2048xi32, #tpu.memory_space<hbm>>
          %dma_start3A_36 = tpu.memref_slice %arg3[%mul3A_24] : memref<16384xi32, #tpu.memory_space<hbm>> -> memref<2048xi32, #tpu.memory_space<hbm>>
          tpu.enqueue_dma source(%dma_start3A_36 : memref<2048xi32, #tpu.memory_space<hbm>>) target(%arg6 : memref<2048xi32, #tpu.memory_space<vmem>>) target_semaphore(%run_scoped3A : memref<!tpu.dma_semaphore, #tpu.memory_space<semaphore_mem>>)
          %dma_wait3A = tpu.memref_slice %arg3[%mul3A_24] : memref<16384xi32, #tpu.memory_space<hbm>> -> memref<2048xi32, #tpu.memory_space<hbm>>
          %dma_wait3A_37 = tpu.memref_slice %arg3[%mul3A_24] : memref<16384xi32, #tpu.memory_space<hbm>> -> memref<2048xi32, #tpu.memory_space<hbm>>
          tpu.wait_dma2 semaphore(%run_scoped3A : memref<!tpu.dma_semaphore, #tpu.memory_space<semaphore_mem>>) src(%dma_wait3A_37 : memref<2048xi32, #tpu.memory_space<hbm>>) dst(%arg6 : memref<2048xi32, #tpu.memory_space<vmem>>)
          tpu.yield
        }) : () -> ()
        %scan3A_25 = arith.constant 0 : i32
        %scan3A_26 = arith.constant 0 : i32
        %scan3A_27 = arith.constant 128 : i32
        %scan3A_28 = arith.addi %scan3A_26, %scan3A_27 : i32
        %scan3A_29 = arith.constant 1 : i32
        scf.for %scan3A_36 = %scan3A_26 to %scan3A_28 step %scan3A_29  : i32 {
          %mul3A_37 = arith.constant 16 : i32
          %mul3A_38 = arith.muli %scan3A_36, %mul3A_37 : i32
          %get3A = arith.index_cast %mul3A_38 : i32 to index
          %get3A_39 = tpu.vector_load %arg6[%get3A] {strides = array<i32>} : memref<2048xi32, #tpu.memory_space<vmem>>, vector<16xi32>,
          %gather3A = tpu.vector_load_idx %arg5[%get3A_39] : memref<100000xf32, #tpu.memory_space<vmem>>[vector<16xi32>], vector<16xf32>,
          %gt3A = arith.constant 0.000000e+00 : f32
          %gt3A_40 = vector.broadcast %gt3A : f32 to vector<16xf32>
          %gt3A_41 = arith.cmpf ogt, %gather3A, %gt3A_40 : vector<16xf32>
          %add3A_42 = arith.constant 1.000000e+00 : f32
          %add3A_43 = vector.broadcast %add3A_42 : f32 to vector<16xf32>
          %add3A_44 = arith.addf %gather3A, %add3A_43 : vector<16xf32>
          %exp3A = math.exp %gather3A : vector<16xf32>
          %select_n3A = arith.select %gt3A_41, %add3A_44, %exp3A : vector<16xi1>, vector<16xf32>
          %mul3A_45 = arith.constant 16 : i32
          %mul3A_46 = arith.muli %scan3A_36, %mul3A_45 : i32
          %swap3A = arith.index_cast %mul3A_46 : i32 to index
          %swap3A_47 = tpu.vector_load %arg7[%swap3A] {strides = array<i32>} : memref<2048xf32, #tpu.memory_space<vmem>>, vector<16xf32>,
          tpu.vector_store %arg7[%swap3A], %select_n3A {strides = array<i32>} : memref<2048xf32, #tpu.memory_space<vmem>>, vector<16xf32>,
        }
        %scan3A_30 = arith.constant 128 : i32
        %mul3A_31 = arith.constant 16384 : i32
        %mul3A_32 = arith.muli %add3A_6, %mul3A_31 : i32
        %mul3A_33 = arith.constant 2048 : i32
        %mul3A_34 = arith.muli %add3A_22, %mul3A_33 : i32
        %add3A_35 = arith.addi %mul3A_32, %mul3A_34 : i32
        "tpu.region"() ({
          %run_scoped3A = tpu.sem_alloc : memref<!tpu.dma_semaphore, #tpu.memory_space<semaphore_mem>>
          %dma_start3A = tpu.memref_slice %arg4[%add3A_35] : memref<819200xf32, #tpu.memory_space<hbm>> -> memref<2048xf32, #tpu.memory_space<hbm>>
          %dma_start3A_36 = tpu.memref_slice %arg4[%add3A_35] : memref<819200xf32, #tpu.memory_space<hbm>> -> memref<2048xf32, #tpu.memory_space<hbm>>
          tpu.enqueue_dma source(%arg7 : memref<2048xf32, #tpu.memory_space<vmem>>) target(%dma_start3A_36 : memref<2048xf32, #tpu.memory_space<hbm>>) target_semaphore(%run_scoped3A : memref<!tpu.dma_semaphore, #tpu.memory_space<semaphore_mem>>)
          %dma_wait3A = tpu.memref_slice %arg4[%add3A_35] : memref<819200xf32, #tpu.memory_space<hbm>> -> memref<2048xf32, #tpu.memory_space<hbm>>
          %dma_wait3A_37 = tpu.memref_slice %arg4[%add3A_35] : memref<819200xf32, #tpu.memory_space<hbm>> -> memref<2048xf32, #tpu.memory_space<hbm>>
          tpu.wait_dma2 semaphore(%run_scoped3A : memref<!tpu.dma_semaphore, #tpu.memory_space<semaphore_mem>>) src(%arg7 : memref<2048xf32, #tpu.memory_space<vmem>>) dst(%dma_wait3A_37 : memref<2048xf32, #tpu.memory_space<hbm>>)
          tpu.yield
        }) : () -> ()
      }
      %scan3A_17 = arith.constant 8 : i32
    } else {
    }
    return
  }
}

</mosaic_0001>

<sc_bundles>
// kernel: kernel.3.cloned.1.call-start
scs
__scs_entry_jumppad:
0x0: {  	(pc) =	sbr.rel $0x88, $3  }
0x1: {  	(tag) =	ssettag $0x0;
	lr =	simm.s32 $0x1  }
0x2: {  	[smem:$0x3F9E] =	sst lr;
	_ =	strace $0xD0000000  }
0x3: {  	_ = 	snop  }
0x4: {  	_ = 	snop  }
0x5: {  	_ = 	snop  }
0x6: {  	_ = 	snop  }
0x7: {  	_ = 	snop  }
__scs_overlays_trampoline_lowered:
0x8: {  	[smem:$0x3FAD] =	sst s0  }
0x9: {  	[smem:$0x3FAE] =	sst s1  }
0xa: {  	[smem:$0x3FAF] =	sst s2  }
0xb: {  	[smem:$0x3FB0] =	sst s3  }
0xc: {  	[smem:$0x3FB1] =	sst s4  }
0xd: {  	[smem:$0x3FB2] =	sst s5  }
0xe: {  	[smem:$0x3FB3] =	sst s6  }
0xf: {  	[smem:$0x3FB4] =	sst s7  }
0x10: {  	[smem:$0x3FB5] =	sst s8  }
0x11: {  	[smem:$0x3FB6] =	sst s9;
	s0 =	simm.s32 @!p0 $0x0  }
0x12: {  	s1 =	sld [smem:$0x3F9C];
	s0 =	simm.s32 @p0 $0x1  }
0x13: {  	[smem:$0x3FB7] =	sst s0;
	s0 =	simm.s32 @!p1 $0x0  }
0x14: {  	s2 =	sld [smem:$0x3F9B];
	s0 =	simm.s32 @p1 $0x1  }
0x15: {  	[smem:$0x3FB8] =	sst s0;
	s0 =	simm.s32 @!p2 $0x0  }
0x16: {  	s3 =	sld [smem:$0x3FDB];
	s0 =	simm.s32 @p2 $0x1  }
0x17: {  	s4 =	simm.s32 $0x1BF5;
	[smem:$0x3FBA] =	sst s0  }
0x18: {  	s0 =	sld [smem:$0x3F9D];
	_ =	swait.ge [sflag:s4], $0x0  }
0x19: {  	s7 =	sld [smem:$0x3F9E]  }
0x1a: {  	s8 =	sadd.s32 $0xFFFFE003, lr  }
0x1b: {  	s9 =	sadd.s32 $0xFFFFFEF7, lr;
	s5 =	simm.s32 $0xFFFFFFFF;
	p2 =	slt.u32 s8, $0xFFFFF086  }
0x1c: {  	p1 =	slt.u32 s9, $0xF7A;
	s5 =	simm.s32 @!p2 $0x0  }
0x1d: {  	s5 =	simm.s32 @p1 $0x1;
	p0 =	seq.s32 s7, s2  }
0x1e: {  	s7 =	smul.u32 @!p0 $0xF7A, s2;
	p2 =	seq.s32 @!p0 s5, $0x0  }
0x1f: {  	s9 =	smul.u32 $0xF7A, s1;
	s8 =	simm.s32 @!p0 $0x1BF5;
	p2 =	por !p2, p0  }
0x20: {  	[sflag:s8] =	ssyncset.s32 @!p0 $0xFFFFF086;
	s6 =	sadd.s32 @!p0 s3, s7;
	s7 =	simm.s32 @!p0 $0x108  }
0x21: {  	s3 =	sadd.s32 s3, s9;
	s6 =	sadd.s32 @!p0 $0x88, s6;
	s7 =	simm.s32 @p2 $0x1082  }
0x22: {  	[simem:s7], [sflag:s8] =	dma.local @!p0 [hbm:s6], $0xF7A  }
0x23: {  	s9 =	sor.u32 $0xD0000000, s2;
	s6 =	simm.s32 $0x108;
	_ =	swait.ge @!p0 [sflag:s8], $0x0  }
0x24: {  	s3 =	sadd.s32 $0x88, s3;
	s6 =	simm.s32 @!p1 $0x1082;
	[sflag:s4] =	ssyncset.s32 $0xFFFFF086  }
0x25: {  	[simem:s6], [sflag:s4] =	dma.local [hbm:s3], $0xF7A  }
0x26: {  	[smem:$0x3F9E] =	sst s1;
	(tag) =	ssettag s2;
	_ =	strace s9  }
0x27: {  	s1 =	sld [smem:$0x3FAE]  }
0x28: {  	s2 =	sld [smem:$0x3FAF]  }
0x29: {  	s4 =	sld [smem:$0x3FB1]  }
0x2a: {  	p0 =	seq.s32 s5, $0x0;
	s5 =	sld [smem:$0x3FB2]  }
0x2b: {  	s6 =	sld [smem:$0x3FB3]  }
0x2c: {  	s7 =	sld [smem:$0x3FB4]  }
0x2d: {  	s3 =	simm.s32 $0x108;
	s8 =	sld [smem:$0x3FB5]  }
0x2e: {  	s3 =	simm.s32 @!p0 $0x1082;
	s9 =	sld [smem:$0x3FB6]  }
0x2f: {  	lr =	sadd.s32 s0, s3;
	s0 =	sld [smem:$0x3FAD]  }
0x30: {  	s3 =	sld [smem:$0x3FB0]  }
0x31: {  	[smem:$0x3FB9] =	sst s10  }
0x32: {  	s10 =	sld [smem:$0x3FB7];
	_ =	sdelay $0x3  }
0x33: {  	p0 =	seq.s32 s10, $0x1;
	s10 =	sld [smem:$0x3FB9];
	_ =	sdelay $0x3  }
0x34: {  	[smem:$0x3FB9] =	sst s10  }
0x35: {  	s10 =	sld [smem:$0x3FB8];
	_ =	sdelay $0x3  }
0x36: {  	p1 =	seq.s32 s10, $0x1;
	s10 =	sld [smem:$0x3FB9];
	_ =	sdelay $0x3  }
0x37: {  	[smem:$0x3FB9] =	sst s10  }
0x38: {  	s10 =	sld [smem:$0x3FBA]  }
0x39: {  	_ = 	snop;
	(pc) =	sbr.ind lr, $3  }
0x3a: {  	_ = 	snop  }
0x3b: {  	_ = 	snop  }
0x3c: {  	p2 =	seq.s32 s10, $0x1;
	s10 =	sld [smem:$0x3FB9]  }
0x3d: {  	_ =	shalt  }
0x3e: {  	_ =	shalt  }
0x3f: {  	_ =	shalt  }
0x40: {  	_ =	shalt  }
0x41: {  	_ =	shalt  }
0x42: {  	_ =	shalt  }
0x43: {  	_ =	shalt  }
0x44: {  	_ =	shalt  }
0x45: {  	_ =	shalt  }
0x46: {  	_ =	shalt  }
0x47: {  	_ =	shalt  }
0x48: {  	_ =	shalt  }
0x49: {  	_ =	shalt  }
0x4a: {  	_ =	shalt  }
0x4b: {  	_ =	shalt  }
0x4c: {  	_ =	shalt  }
0x4d: {  	_ =	shalt  }
0x4e: {  	_ =	shalt  }
0x4f: {  	_ =	shalt  }
0x50: {  	_ =	shalt  }
0x51: {  	_ =	shalt  }
0x52: {  	_ =	shalt  }
0x53: {  	_ =	shalt  }
0x54: {  	_ =	shalt  }
0x55: {  	_ =	shalt  }
0x56: {  	_ =	shalt  }
0x57: {  	_ =	shalt  }
0x58: {  	_ =	shalt  }
0x59: {  	_ =	shalt  }
0x5a: {  	_ =	shalt  }
0x5b: {  	_ =	shalt  }
0x5c: {  	_ =	shalt  }
0x5d: {  	_ =	shalt  }
0x5e: {  	_ =	shalt  }
0x5f: {  	_ =	shalt  }
0x60: {  	_ =	shalt  }
0x61: {  	_ =	shalt  }
0x62: {  	_ =	shalt  }
0x63: {  	_ =	shalt  }
0x64: {  	_ =	shalt  }
0x65: {  	_ =	shalt  }
0x66: {  	_ =	shalt  }
0x67: {  	_ =	shalt  }
0x68: {  	_ =	shalt  }
0x69: {  	_ =	shalt  }
0x6a: {  	_ =	shalt  }
0x6b: {  	_ =	shalt  }
0x6c: {  	_ =	shalt  }
0x6d: {  	_ =	shalt  }
0x6e: {  	_ =	shalt  }
0x6f: {  	_ =	shalt  }
0x70: {  	_ =	shalt  }
0x71: {  	_ =	shalt  }
0x72: {  	_ =	shalt  }
0x73: {  	_ =	shalt  }
0x74: {  	_ =	shalt  }
0x75: {  	_ =	shalt  }
0x76: {  	_ =	shalt  }
0x77: {  	_ =	shalt  }
0x78: {  	_ =	shalt  }
0x79: {  	_ =	shalt  }
0x7a: {  	_ =	shalt  }
0x7b: {  	_ =	shalt  }
0x7c: {  	_ =	shalt  }
0x7d: {  	_ =	shalt  }
0x7e: {  	_ =	shalt  }
0x7f: {  	_ =	shalt  }
0x80: {  	_ =	shalt  }
0x81: {  	_ =	shalt  }
0x82: {  	_ =	shalt  }
0x83: {  	_ =	shalt  }
0x84: {  	_ =	shalt  }
0x85: {  	_ =	shalt  }
0x86: {  	_ =	shalt  }
0x87: {  	_ =	shalt  }
.Lfunc_end0:
.L_simem_size_0:
called_computation.1_lowered:
.L_overlay_start_0:
0x88: {  	s2 =	sld [smem:$0x3FD9]  }
0x89: {  	s3 =	sld [smem:$0x3FFE];
	_ =	sdelay $0x1  }
0x8a: {  	s1 =	srdreg.scid  }
0x8b: {  	s0 =	sand.u32 $0x1, s1  }
0x8c: {  	s17 =	sshll.u32 s0, $0xA;
	s2 =	sadd.s32 s3, s2  }
0x8d: {  	s2 =	sadd.s32 s2, s17  }
0x8e: {  	[smem:$0x3FC5] =	sst s2  }
0x8f: {  	_ = 	snop  }
0x90: {  	s2 =	sld [smem:$0x3FC8]  }
0x91: {  	s18 =	sld [smem:$0x3FD0];
	(tm) =	ssettm $0x1  }
0x92: {  	s4 =	sld [smem:$0x3FFB];
	_ =	sdelay $0x3  }
0x93: {  	_ =	strace s4  }
0x94: {  	s4 =	sld [smem:$0x3FFC];
	_ =	sdelay $0x3  }
0x95: {  	_ =	strace s4  }
0x96: {  	s4 =	sld [smem:$0x3FFD];
	_ =	sdelay $0x3  }
0x97: {  	_ =	strace s4  }
0x98: {  	_ =	strace $0x8FFFFFFF  }
0x99: {  	s19 =	sld [smem:$0x3FDB];
	_ =	sdelay $0x1  }
0x9a: {  	s5 =	simm.s32 $_scs_section_size  }
0x9b: {  	s6 =	simm.s32 $_size__tile_overlayer_lowered;
	s7 =	simm.s32 $_tile_overlayer_lowered  }
0x9c: {  	s22 =	simm.s32 $0x1BFF;
	s21 =	sshll.u32 s7, $0x1;
	s4 =	sadd.s32 s5, s19  }
0x9d: {  	s8 =	simm.s32 $0x0;
	s20 =	sshll.u32 s6, $0x1;
	s6 =	sadd.s32 s21, s4  }
0x9e: {  	[timem:s8], [sflag:s22] =	dma.local [hbm:s6], s20  }
0x9f: {  	_ =	swait.ge [sflag:s22], s20  }
0xa0: {  	s5 =	ssub.s32 $0x0, s20;
	[sflag:s22] =	ssyncset.done $0x0  }
0xa1: {  	[sflag:s22] =	ssyncadd.s32 s5;
	_ =	sdelay $0x1  }
0xa2: {  	s23 =	simm.s32 $0x1B8B  }
0xa3: {  	_ =	swait.ge [sflag:s23], $0x1  }
0xa4: {  	[sflag:s23] =	ssyncset.done $0x0  }
0xa5: {  	s25 =	simm.s32 $0x1B8E;
	s24 =	sld [smem:$0x3FFE];
	[sflag:s23] =	ssyncadd.s32 $0xFFFFFFFF  }
0xa6: {  	s26 =	simm.s32 $execute0_lowered;
	[smem:$0x3FD2] =	sst s25  }
0xa7: {  	s6 =	sshll.u32 s26, $0x1;
	_ =	strace $0x80000049;
	[dreg:$0x1] =	wrdreg $0xFFFFFFFF  }
0xa8: {  	s28 =	simm.s32 $_size_execute0_lowered;
	s4 =	sadd.s32 s4, s6;
	[dreg:$0x0] =	wrdreg $0x0  }
0xa9: {  	s6 =	sshll.u32 s28, $0x1;
	[dreg:$0x2] =	wrdreg s4  }
0xaa: {  	[dreg:$0x3] =	wrdreg s6  }
0xab: {  	[dreg:$0x4] =	wrdreg $0xC0  }
0xac: {  	_ =	task [dreg:s8], $0x5FFFF  }
0xad: {  	[dreg:$0x1] =	wrdreg $0xFFFFFFFF  }
0xae: {  	[dreg:$0x0] =	wrdreg $0x60  }
0xaf: {  	[dreg:$0x2] =	wrdreg s24  }
0xb0: {  	[dreg:$0x3] =	wrdreg s2  }
0xb1: {  	[dreg:$0x4] =	wrdreg s18  }
0xb2: {  	[dreg:$0x5] =	wrdreg $0x9  }
0xb3: {  	_ =	task.clear_ibuf [dreg:s8], $0x6FFFF;
	_ =	strace $0x90000049  }
0xb4: {  	s29 =	simm.s32 $0x9;
	_ =	strace $0x8000004B  }
0xb5: {  	_ =	swait.ge [sflag:s29], $0x1  }
0xb6: {  	[sflag:s29] =	ssyncadd.s32 $0xFFFFFFFF  }
0xb7: {  	_ =	strace $0x9000004B  }
0xb8: {  	_ =	sfence  }
0xb9: {  	s30 =	sld [smem:$0x0];
	_ =	sdelay $0x2  }
0xba: {  	s31 =	sshll.u32 s1, $0xD;
	s1 =	sshrl.u32 s1, $0x2  }
0xbb: {  	s3 =	sand.u32 $0x4000, s31;
	s1 =	sadd.s32 s1, s30  }
0xbc: {  	s0 =	sor.u32 s3, s0;
	s1 =	sshll.u32 s1, $0x11  }
0xbd: {  	s0 =	sor.u32 s1, s0  }
0xbe: {  	s0 =	sadd.s32 $0x8F2B, s0  }
0xbf: {  	[sflag:s0] =	ssyncadd.remote.s32 $0x1  }
0xc0: {  	_ =	sfence.sel $0xFFFF  }
0xc1: {  	[dreg:$0x0] =	wrdreg $0xFFFFFFFF;
	(pc) =	sbr.abs _section_cstart, $3  }
0xc2: {  	[dreg:$0x1] =	wrdreg $0xFFFFFFFF  }
0xc3: {  	_ =	task.clear_ibuf [dreg:s8], $0x2FFFF;
	_ =	strace $0x9FFFFFFF  }
0xc4: {  	(tm) =	ssettm $0x7FFFFFFF  }
0xc5: {  	_ =	shalt  }
tec
execute0_lowered:
.L_overlay_start_1:
0x0: {  	(tag) =	ssettag $0x1  }
0x1: {  	s4 =	rddreg [dreg:$0x0]  }
0x2: {  	s1 =	rddreg [dreg:$0x1]  }
0x3: {  	s7 =	rddreg [dreg:$0x2]  }
0x4: {  	s0 =	rddreg [dreg:$0x3];
	s3 =	simm.s32 $0x0  }
0x5: {  	s5 =	srdreg.scid;
	s2 =	stileid.u32;
	s12 =	simm.s32 $0x0  }
0x6: {  	[smem:$0x7FF] =	sst s3;
	s5 =	sand.u32 $0x1, s5;
	s6 =	sshll.u32 s2, $0x1  }
0x7: {  	s11 =	sadd.s32 $0xA00, s4;
	s8 =	ssub.s32 $0x2, s5;
	s5 =	sor.u32 s5, s6  }
0x8: {  	p0 =	sgt.u32 s2, $0x8;
	_ =	strace $0x8000004A;
	s9 =	smul.u32 $0x30D4, s5  }
.Ltmp0:
0x9: {  	s29 =	sshrl.u32 s8, $0x1;
	s10 =	sor.u32 $0x20, s5;
	(pc) =	sbr.rel .LBB2_1-.Ltmp0, $4  }
0xa: {  	s5 =	sshll.u32 s5, $0xB;
	s8 =	ssub.s32 s8, s29;
	s30 =	smul.u32 $0x30D4, s10  }
0xb: {  	s31 =	sshll.u32 s10, $0xB;
	s5 =	sadd.s32 s7, s5;
	s10 =	simm.s32 $0x18700  }
0xc: {  	s4 =	sadd.s32 s11, s9;
	s7 =	sadd.s32 s7, s31;
	s8 =	smax.u32 s8, $0x1  }
0xd: {  	s9 =	simm.s32 $0x1;
	s6 =	sadd.s32 s11, s30;
	s11 =	simm.s32 $0x18F00  }
.LBB2_10:
0xe: {  	s12 =	sadd.s32 $0x1, s12  }
0xf: {  	p1 =	sne.s32 s12, s8  }
.Ltmp1:
0x10: {  	_ = 	snop;
	(pc) =	sbr.rel @!p1 .LBB2_11-.Ltmp1, $1  }
0x11: {  	_ =	sdelay $0x3  }
.LBB2_1:
0x12: {  	[tilespmem:s3], [sflag:$0x1] =	stream.linear.gather [hbm4b:s4+s3], $0x186A0, $0x38;
	[tilespmem:$0x19700] =	vst v63  }
0x13: {  	_ =	swait.ge [sflag:s9], $0x186A0  }
0x14: {  	[sflag:s9] =	ssyncset.done $0x0  }
0x15: {  	s13 =	simm.s32 $0x0;
	[sflag:s9] =	ssyncadd.s32 $0xFFFE7960  }
.LBB2_2:
0x16: {  	s14 =	sshll.u32 s13, $0x8  }
0x17: {  	s16 =	simm.s32 $0x0;
	s15 =	sadd.s32 s1, s14  }
0x18: {  	[tilespmem:s10], [sflag:$0x1] =	stream.linear.gather [hbm4b:s15+s16], $0x800, $0x38;
	[tilespmem:$0x19700] =	vst v63  }
0x19: {  	_ =	swait.ge [sflag:s9], $0x800  }
0x1a: {  	[sflag:s9] =	ssyncset.done $0x0  }
0x1b: {  	s15 =	simm.s32 $0x0;
	[sflag:s9] =	ssyncadd.s32 $0xFFFFF800  }
0x1c: {  	v0 =	vld [tilespmem:s15+$0x18700];
	_ =	sdelay $0x7  }
0x1d: {  	v0 =	vld.idx.msk [tilespmem:v0+s3+$0x0], $0xffff;
	_ =	sdelay $0x4  }
0x1e: {  	v1 =	vmul.f32 $1.442695020e+00, v0;
	_ =	sdelay $0x1  }
0x1f: {  	(erf) = vpow2.f32 v1;
	_ =	sdelay $0x2  }
0x20: {  	s17 =	simm.s32 $0x10;
	s16 =	simm.s32 $0x80  }
.LBB2_3:
0x21: {  	p1 =	sne.s32 s16, $0x1FC0;
	v1 =	vld [tilespmem:s17+$0x18700];
	_ =	sdelay $0x3  }
0x22: {  	v2 =	vadd.f32 $1.000000000e+00, v0  }
0x23: {  	vm0 =	vgt.f32 v0, $0.0e+00;
	v0 =	vpop (erf)  }
0x24: {  	v0 =	vsel vm0, v2, v0  }
0x25: {  	[tilespmem:s15+$0x18F00] =	vst v0;
	s15 =	smov.u32 s17  }
0x26: {  	v0 =	vld.idx.msk [tilespmem:v1+s3+$0x0], $0xffff;
	_ =	sdelay $0x5  }
0x27: {  	v1 =	vmul.f32 $1.442695020e+00, v0  }
.Ltmp2:
0x28: {  	(pc) =	sbr.rel @p1 .LBB2_3-.Ltmp2, $2  }
0x29: {  	(erf) = vpow2.f32 v1;
	_ =	sdelay $0x2  }
0x2a: {  	s17 =	sshra.s32 s16, $0x2;
	s16 =	sadd.s32 $0x40, s16  }
0x2b: {  	v1 =	vld [tilespmem:s17+$0x18700];
	_ =	sdelay $0x3  }
0x2c: {  	v2 =	vadd.f32 $1.000000000e+00, v0  }
0x2d: {  	vm0 =	vgt.f32 v0, $0.0e+00;
	v61 =	vpop (erf)  }
0x2e: {  	v0 =	vsel vm0, v2, v61  }
0x2f: {  	[tilespmem:s15+$0x18F00] =	vst v0  }
0x30: {  	v0 =	vld.idx.msk [tilespmem:v1+s3+$0x0], $0xffff;
	_ =	sdelay $0x4  }
0x31: {  	v1 =	vmul.f32 $1.442695020e+00, v0;
	_ =	sdelay $0x1  }
0x32: {  	(erf) = vpow2.f32 v1;
	_ =	sdelay $0x7  }
0x33: {  	v62 =	vadd.f32 $1.000000000e+00, v0  }
0x34: {  	s13 =	sadd.s32 $0x1, s13;
	vm15 =	vgt.f32 v0, $0.0e+00;
	v63 =	vpop (erf)  }
0x35: {  	p1 =	sne.s32 s13, $0x8;
	v0 =	vsel vm15, v62, v63  }
.Ltmp3:
0x36: {  	s14 =	sadd.s32 s14, s5;
	[tilespmem:s17+$0x18F00] =	vst v0;
	(pc) =	sbr.rel @p1 .LBB2_2-.Ltmp3, $4  }
0x37: {  	[hbm4b:s14+s3] =	stream.linear.scatter [tilespmem:s11], [sflag:$0x1], $0x800, $0x38;
	[tilespmem:$0x19700] =	vst v63  }
0x38: {  	_ =	swait.ge [sflag:s9], $0x800  }
0x39: {  	[sflag:s9] =	ssyncset.done $0x0  }
0x3a: {  	[sflag:s9] =	ssyncadd.s32 $0xFFFFF800  }
.Ltmp4:
0x3b: {  	(pc) =	sbr.rel @p0 .LBB2_10-.Ltmp4, $1  }
0x3c: {  	_ =	sdelay $0x3  }
0x3d: {  	s13 =	simm.s32 $0x0  }
0x3e: {  	[tilespmem:s13], [sflag:$0x1] =	stream.linear.gather [hbm4b:s6+s13], $0x186A0, $0x38;
	[tilespmem:$0x19700] =	vst v63  }
0x3f: {  	_ =	swait.ge [sflag:s9], $0x186A0  }
0x40: {  	[sflag:s9] =	ssyncset.done $0x0  }
0x41: {  	s14 =	simm.s32 $0x0;
	[sflag:s9] =	ssyncadd.s32 $0xFFFE7960  }
.LBB2_7:
0x42: {  	s15 =	sshll.u32 s14, $0x8  }
0x43: {  	s16 =	sadd.s32 s1, s15  }
0x44: {  	[tilespmem:s10], [sflag:$0x1] =	stream.linear.gather [hbm4b:s16+s13], $0x800, $0x38;
	[tilespmem:$0x19700] =	vst v63  }
0x45: {  	_ =	swait.ge [sflag:s9], $0x800  }
0x46: {  	[sflag:s9] =	ssyncset.done $0x0  }
0x47: {  	s16 =	simm.s32 $0x0;
	[sflag:s9] =	ssyncadd.s32 $0xFFFFF800  }
0x48: {  	v0 =	vld [tilespmem:s16+$0x18700];
	_ =	sdelay $0x7  }
0x49: {  	v0 =	vld.idx.msk [tilespmem:v0+s3+$0x0], $0xffff;
	_ =	sdelay $0x4  }
0x4a: {  	v1 =	vmul.f32 $1.442695020e+00, v0;
	_ =	sdelay $0x1  }
0x4b: {  	(erf) = vpow2.f32 v1;
	_ =	sdelay $0x2  }
0x4c: {  	s18 =	simm.s32 $0x10;
	s17 =	simm.s32 $0x80  }
.LBB2_8:
0x4d: {  	p1 =	sne.s32 s17, $0x1FC0;
	v1 =	vld [tilespmem:s18+$0x18700];
	_ =	sdelay $0x3  }
0x4e: {  	v2 =	vadd.f32 $1.000000000e+00, v0  }
0x4f: {  	vm0 =	vgt.f32 v0, $0.0e+00;
	v0 =	vpop (erf)  }
0x50: {  	v0 =	vsel vm0, v2, v0  }
0x51: {  	[tilespmem:s16+$0x18F00] =	vst v0;
	s16 =	smov.u32 s18  }
0x52: {  	v0 =	vld.idx.msk [tilespmem:v1+s3+$0x0], $0xffff;
	_ =	sdelay $0x5  }
0x53: {  	v1 =	vmul.f32 $1.442695020e+00, v0  }
.Ltmp5:
0x54: {  	(pc) =	sbr.rel @p1 .LBB2_8-.Ltmp5, $2  }
0x55: {  	(erf) = vpow2.f32 v1;
	_ =	sdelay $0x2  }
0x56: {  	s18 =	sshra.s32 s17, $0x2;
	s17 =	sadd.s32 $0x40, s17  }
0x57: {  	v1 =	vld [tilespmem:s18+$0x18700];
	_ =	sdelay $0x3  }
0x58: {  	v2 =	vadd.f32 $1.000000000e+00, v0  }
0x59: {  	vm0 =	vgt.f32 v0, $0.0e+00;
	v61 =	vpop (erf)  }
0x5a: {  	v0 =	vsel vm0, v2, v61  }
0x5b: {  	[tilespmem:s16+$0x18F00] =	vst v0  }
0x5c: {  	v0 =	vld.idx.msk [tilespmem:v1+s3+$0x0], $0xffff;
	_ =	sdelay $0x4  }
0x5d: {  	v1 =	vmul.f32 $1.442695020e+00, v0;
	_ =	sdelay $0x1  }
0x5e: {  	(erf) = vpow2.f32 v1;
	_ =	sdelay $0x7  }
0x5f: {  	v62 =	vadd.f32 $1.000000000e+00, v0  }
0x60: {  	vm15 =	vgt.f32 v0, $0.0e+00;
	v63 =	vpop (erf)  }
0x61: {  	s14 =	sadd.s32 $0x1, s14;
	v0 =	vsel vm15, v62, v63  }
0x62: {  	s15 =	sadd.s32 s15, s7;
	p1 =	sne.s32 s14, $0x8;
	[tilespmem:s18+$0x18F00] =	vst v0  }
0x63: {  	[hbm4b:s15+s3] =	stream.linear.scatter [tilespmem:s11], [sflag:$0x1], $0x800, $0x38;
	[tilespmem:$0x19700] =	vst v63  }
.Ltmp6:
0x64: {  	_ = 	snop;
	(pc) =	sbr.rel @p1 .LBB2_7-.Ltmp6, $4  }
.Ltmp7:
0x65: {  	_ = 	snop;
	(pc) =	sbr.rel @!p1 .LBB2_10-.Ltmp7, $4  }
0x66: {  	_ =	swait.ge [sflag:s9], $0x800  }
0x67: {  	[sflag:s9] =	ssyncset.done $0x0  }
0x68: {  	[sflag:s9] =	ssyncadd.s32 $0xFFFFF800  }
0x69: {  	_ = 	snop  }
.LBB2_11:
0x6a: {  	_ =	sfence.sel $0x180000  }
0x6b: {  	[bflag:$0x0] =	sbarrier.arrive $0xFFFF  }
0x6c: {  	p0 =	sne.s32 s2, $0x0;
	_ =	strace $0x9000004A  }
0x6d: {  	s0 =	sadd.s32 @!p0 $0x100000, s0;
	[bflag:$0x2] =	sbarrier.arrive $0xFFFF  }
0x6e: {  	[sflag:s0] =	ssyncadd.tile.s32 @!p0 $0x1;
	_ =	shalt  }
.Lfunc_end2:
_tile_overlayer_lowered:
.L_overlay_start_2:
0x6f: {  	(tag) =	ssettag $0x2  }
0x70: {  	s0 =	rddreg [dreg:$0x0];
	s2 =	stileid.u32  }
0x71: {  	s1 =	rddreg [dreg:$0x1];
	p0 =	sne.s32 s2, $0x0  }
0x72: {  	s3 =	rddreg [dreg:$0x2];
	[bflag:$0x3] =	sbarrier.arrive $0xFFFF;
	s2 =	simm.s32 @!p0 $0x1C01  }
0x73: {  	[timem:s3], [sflag:s2] =	dma.local @!p0 [hbm:s0], s1  }
0x74: {  	s0 =	simm.s32 @!p0 $0x1  }
0x75: {  	_ =	swait.ge @!p0 [sflag:s0], s1  }
0x76: {  	s1 =	ssub.s32 @!p0 $0x0, s1;
	[sflag:s0] =	ssyncset.done @!p0 $0x0  }
0x77: {  	[sflag:s0] =	ssyncadd.s32 @!p0 s1  }
0x78: {  	[bflag:$0x3] =	sbarrier.arrive $0xFFFF  }
0x79: {  	_ =	shalt  }

// kernel: sparse-core-data-format-call.cloned.1.call-start
scs
called_computation_lowered:
.L_overlay_start_0:
0x0: {  	s2 =	sld [smem:$0x3FD9]  }
0x1: {  	s3 =	sld [smem:$0x3FFE];
	_ =	sdelay $0x1  }
0x2: {  	s1 =	srdreg.scid  }
0x3: {  	s0 =	sand.u32 $0x1, s1  }
0x4: {  	s18 =	sshll.u32 s0, $0xA;
	s2 =	sadd.s32 s3, s2  }
0x5: {  	s2 =	sadd.s32 s2, s18  }
0x6: {  	[smem:$0x3FC5] =	sst s2  }
0x7: {  	_ = 	snop  }
0x8: {  	s2 =	sld [smem:$0x3FC7];
	(tm) =	ssettm $0x1  }
0x9: {  	s19 =	sld [smem:$0x3FFB];
	_ =	sdelay $0x3  }
0xa: {  	_ =	strace s19  }
0xb: {  	s3 =	sld [smem:$0x3FFC];
	_ =	sdelay $0x3  }
0xc: {  	_ =	strace s3  }
0xd: {  	s3 =	sld [smem:$0x3FFD];
	_ =	sdelay $0x3  }
0xe: {  	_ =	strace s3  }
0xf: {  	_ =	strace $0x8FFFFFFF  }
0x10: {  	s20 =	sld [smem:$0x3FDB];
	_ =	sdelay $0x1  }
0x11: {  	s4 =	simm.s32 $_scs_section_size  }
0x12: {  	s5 =	simm.s32 $_size__tile_overlayer_lowered;
	s6 =	simm.s32 $_tile_overlayer_lowered  }
0x13: {  	s23 =	simm.s32 $0x1BFF;
	s22 =	sshll.u32 s6, $0x1;
	s3 =	sadd.s32 s4, s20  }
0x14: {  	s7 =	simm.s32 $0x0;
	s21 =	sshll.u32 s5, $0x1;
	s5 =	sadd.s32 s22, s3  }
0x15: {  	[timem:s7], [sflag:s23] =	dma.local [hbm:s5], s21  }
0x16: {  	_ =	swait.ge [sflag:s23], s21  }
0x17: {  	s4 =	ssub.s32 $0x0, s21;
	[sflag:s23] =	ssyncset.done $0x0  }
0x18: {  	[sflag:s23] =	ssyncadd.s32 s4;
	_ =	sdelay $0x1  }
0x19: {  	s24 =	simm.s32 $0x1B8B  }
0x1a: {  	_ =	swait.ge [sflag:s24], $0x1  }
0x1b: {  	[sflag:s24] =	ssyncset.done $0x0  }
0x1c: {  	s26 =	simm.s32 $0x1B8E;
	s25 =	sld [smem:$0x3FFE];
	[sflag:s24] =	ssyncadd.s32 $0xFFFFFFFF  }
0x1d: {  	s27 =	simm.s32 $execute0_lowered;
	[smem:$0x3FD2] =	sst s26  }
0x1e: {  	s5 =	sshll.u32 s27, $0x1;
	_ =	strace $0x80000046;
	[dreg:$0x1] =	wrdreg $0xFFFFFFFF  }
0x1f: {  	s28 =	simm.s32 $_size_execute0_lowered;
	s3 =	sadd.s32 s3, s5;
	[dreg:$0x0] =	wrdreg $0x0  }
0x20: {  	s5 =	sshll.u32 s28, $0x1;
	[dreg:$0x2] =	wrdreg s3  }
0x21: {  	[dreg:$0x3] =	wrdreg s5  }
0x22: {  	[dreg:$0x4] =	wrdreg $0xC0  }
0x23: {  	_ =	task [dreg:s7], $0x5FFFF  }
0x24: {  	[dreg:$0x1] =	wrdreg $0xFFFFFFFF  }
0x25: {  	[dreg:$0x0] =	wrdreg $0x60  }
0x26: {  	[dreg:$0x2] =	wrdreg s2  }
0x27: {  	[dreg:$0x3] =	wrdreg s25  }
0x28: {  	[dreg:$0x4] =	wrdreg $0x9  }
0x29: {  	_ =	task.clear_ibuf [dreg:s7], $0x5FFFF;
	_ =	strace $0x90000046  }
0x2a: {  	s29 =	simm.s32 $0x9;
	_ =	strace $0x80000048  }
0x2b: {  	_ =	swait.ge [sflag:s29], $0x1  }
0x2c: {  	[sflag:s29] =	ssyncadd.s32 $0xFFFFFFFF  }
0x2d: {  	_ =	strace $0x90000048  }
0x2e: {  	_ =	sfence  }
0x2f: {  	s30 =	sld [smem:$0x0];
	_ =	sdelay $0x2  }
0x30: {  	s31 =	sshll.u32 s1, $0xD;
	s1 =	sshrl.u32 s1, $0x2  }
0x31: {  	s3 =	sand.u32 $0x4000, s31;
	s1 =	sadd.s32 s1, s30  }
0x32: {  	s0 =	sor.u32 s3, s0;
	s1 =	sshll.u32 s1, $0x11  }
0x33: {  	s0 =	sor.u32 s1, s0  }
0x34: {  	s0 =	sadd.s32 $0x8F2B, s0  }
0x35: {  	[sflag:s0] =	ssyncadd.remote.s32 $0x1  }
0x36: {  	_ =	sfence.sel $0xFFFF  }
0x37: {  	[dreg:$0x0] =	wrdreg $0xFFFFFFFF;
	(pc) =	sbr.abs _section_cstart, $3  }
0x38: {  	[dreg:$0x1] =	wrdreg $0xFFFFFFFF  }
0x39: {  	_ =	task.clear_ibuf [dreg:s7], $0x2FFFF;
	_ =	strace $0x9FFFFFFF  }
0x3a: {  	(tm) =	ssettm $0x7FFFFFFF  }
0x3b: {  	_ =	shalt  }
tec
execute0_lowered:
.L_overlay_start_1:
0x0: {  	(tag) =	ssettag $0x1  }
0x1: {  	s2 =	rddreg [dreg:$0x0];
	s0 =	stileid.u32  }
0x2: {  	s1 =	srdreg.scid;
	s4 =	rddreg [dreg:$0x1];
	_ =	strace $0x80000047  }
0x3: {  	s5 =	simm.s32 $0x1;
	s8 =	simm.s32 $0x2;
	s15 =	simm.s32 $0x0  }
0x4: {  	s16 =	simm.s32 $0x0;
	s7 =	sshll.u32 s0, $0x6;
	s1 =	sshll.u32 s1, $0xA  }
.Ltmp0:
0x5: {  	s10 =	simm.s32 $0x0;
	s1 =	sor.u32 s7, s1;
	(pc) =	sbr.rel .LBB1_1-.Ltmp0, $4  }
0x6: {  	s12 =	simm.s32 $0x0;
	s14 =	simm.s32 $0x0;
	s3 =	sand.u32 $0x700, s1  }
0x7: {  	s4 =	sadd.s32 $0xA00, s4;
	[sflag:s5] =	ssyncpa.u1 $0x0;
	s1 =	ssub.s32 $0x18600, s3  }
0x8: {  	s7 =	sand.u32 $0xC0, s7;
	[sflag:s8] =	ssyncpa.u1 $0x0;
	s6 =	sshrl.u32 s1, $0xB  }
0x9: {  	s13 =	smov.u32 s7;
	s11 =	smov.u32 s3;
	s8 =	sadd.s32 $0x2, s6  }
.LBB1_12:
0xa: {  	s0 =	sshrl.u32 s12, $0x3  }
0xb: {  	s1 =	sshll.u32 s10, $0x3;
	s0 =	smul.u32 $0xC3800, s0  }
0xc: {  	s9 =	sshll.u32 s12, $0x7;
	s1 =	sand.u32 $0xFFFFFC00, s1  }
0xd: {  	s26 =	sand.u32 $0x380, s9;
	s0 =	sadd.s32 s0, s1  }
0xe: {  	s0 =	sor.u32 s26, s0  }
0xf: {  	s1 =	smulhi.u32 $0xA79C7B17, s0;
	_ =	sdelay $0x1  }
0x10: {  	s27 =	sand.u32 $0x7F, s10;
	s19 =	sshrl.u32 s1, $0x13  }
0x11: {  	s0 =	sor.u32 s27, s0;
	s28 =	smul.u32 $0x147B, s19  }
0x12: {  	s29 =	smulhi.u32 $0xA79C7B17, s0  }
0x13: {  	s9 =	sshrl.u32 s28, $0x11  }
0x14: {  	s19 =	sshrl.u32 s29, $0x10;
	s9 =	smul.u32 $0xC8, s9  }
0x15: {  	s1 =	sshrl.u32 s1, $0x10;
	s19 =	smul.u32 $0x18700, s19  }
0x16: {  	s1 =	ssub.s32 s1, s9  }
0x17: {  	s0 =	ssub.s32 s0, s19;
	s1 =	sand.u32 $0xFFFF, s1  }
0x18: {  	s30 =	sshrl.u32 s0, $0x3;
	s0 =	sand.u32 $0x7, s0;
	s1 =	smul.u32 $0x30E0, s1  }
0x19: {  	s9 =	sadd.s32 s4, s30;
	s0 =	sshll.u32 s0, $0x12  }
0x1a: {  	s31 =	simm.s32 $0xC3800;
	s0 =	sor.u32 $0x800, s0;
	s1 =	sadd.s32 s1, s9  }
0x1b: {  	[hbm4b:s1+s0] =	stream.strided.scatter [tilespmem:s18], [sflag:$0x2], s17, s31, s0, $0x38;
	[tilespmem:$0x10000] =	vst v63  }
.LBB1_13:
0x1c: {  	p0 =	slt.u32 s14, $0x2  }
0x1d: {  	s1 =	smov.u32 s16;
	s9 =	smov.u32 s15;
	p1 =	sgt.s32 @!p0 s16, $0x88  }
0x1e: {  	s0 =	sshra.s32 @!p0 s16, $0x1F;
	p2 =	sgt.s32 @!p0 s15, $0x18600;
	p1 =	por !p1, p0  }
0x1f: {  	s0 =	sand.u32 @!p0 s0, s16;
	p2 =	por !p2, p0;
	s16 =	sshra.s32 @!p0 s15, $0x1F  }
0x20: {  	s1 =	simm.s32 @p1 $0x88;
	s9 =	simm.s32 @p2 $0x18600;
	s15 =	sand.u32 @!p0 s16, s15  }
0x21: {  	s0 =	ssub.s32 @!p0 s1, s0;
	s1 =	ssub.s32 @!p0 s9, s15  }
0x22: {  	s9 =	sadd.s32 @!p0 $0xFFFFFF78, s0;
	s15 =	sadd.s32 @!p0 $0xFFFE7A00, s1  }
0x23: {  	s0 =	ssub.s32 @!p0 $0xC8, s0;
	p1 =	sgt.s32 @!p0 s9, $0x3F;
	p2 =	sgt.s32 @!p0 s15, $0xFF  }
0x24: {  	s1 =	ssub.s32 @!p0 $0x18700, s1;
	p1 =	por !p1, p0;
	p2 =	por !p2, p0  }
0x25: {  	s0 =	simm.s32 @!p1 $0x0;
	s1 =	simm.s32 @!p2 $0x0  }
0x26: {  	s0 =	smul.u32 @!p0 s0, s1;
	s1 =	sadd.s32 $0x800, s11  }
0x27: {  	s17 =	smov.u32 s13;
	s15 =	sadd.s32 $0x100, s13;
	p1 =	sgt.s32 s1, $0x1869F  }
0x28: {  	s17 =	smov.u32 @p1 s15  }
0x29: {  	s1 =	smov.u32 @p1 s3;
	p1 =	sgt.s32 s17, $0xC7  }
0x2a: {  	s17 =	smov.u32 @p1 s7;
	p1 =	sne.s32 s14, s8  }
.Ltmp1:
0x2b: {  	s16 =	smov.u32 s12;
	(pc) =	sbr.rel @!p1 .LBB1_14-.Ltmp1, $4  }
0x2c: {  	s12 =	smov.u32 s13;
	s9 =	simm.s32 @!p0 $0x2;
	s0 =	sand.u32 @!p0 $0x3FFFFFFF, s0  }
0x2d: {  	s15 =	smov.u32 s10;
	s10 =	smov.u32 s11;
	_ =	swait.ge @!p0 [sflag:s9], s0  }
0x2e: {  	s0 =	ssub.s32 @!p0 $0x0, s0;
	s11 =	smov.u32 s1;
	[sflag:s9] =	ssyncset.done @!p0 $0x0  }
0x2f: {  	s14 =	sadd.s32 $0x1, s14;
	[sflag:s9] =	ssyncadd.s32 @!p0 s0;
	s13 =	smov.u32 s17  }
.LBB1_1:
0x30: {  	p0 =	sgt.u32 s14, s6  }
0x31: {  	s1 =	smov.u32 s13;
	p1 =	sgt.s32 @!p0 s13, $0x88  }
0x32: {  	s17 =	sshra.s32 @!p0 s13, $0x1F;
	s18 =	sshra.s32 @!p0 s11, $0x1F;
	p1 =	por !p1, p0  }
0x33: {  	s17 =	sand.u32 @!p0 s17, s13;
	s1 =	simm.s32 @p1 $0x88;
	p1 =	sgt.s32 @!p0 s11, $0x18600  }
0x34: {  	s1 =	ssub.s32 @!p0 s1, s17;
	p1 =	por !p1, p0;
	s17 =	smov.u32 s11  }
0x35: {  	s18 =	sand.u32 @!p0 s18, s11;
	s19 =	sadd.s32 @!p0 $0xFFFFFF78, s1;
	s17 =	simm.s32 @p1 $0x18600  }
0x36: {  	s20 =	smulhi.u32 @!p0 $0xA79C7B17, s11;
	p1 =	sgt.s32 @!p0 s19, $0x3F;
	s17 =	ssub.s32 @!p0 s17, s18  }
0x37: {  	s1 =	ssub.s32 @!p0 $0xC8, s1;
	p1 =	por !p1, p0;
	s18 =	sadd.s32 @!p0 $0xFFFE7A00, s17  }
0x38: {  	s1 =	simm.s32 @!p1 $0x0;
	p1 =	sgt.s32 @!p0 s18, $0xFF  }
0x39: {  	s17 =	ssub.s32 @!p0 $0x18700, s17;
	s18 =	sshrl.u32 @!p0 s20, $0x10;
	p1 =	por !p1, p0  }
0x3a: {  	s18 =	smul.u32 @!p0 $0x18700, s18;
	s17 =	simm.s32 @!p1 $0x0  }
0x3b: {  	s19 =	sxor.u32 @!p0 $0xFFFFFFFF, s14;
	s1 =	smul.u32 @!p0 s1, s17  }
0x3c: {  	s17 =	sshll.u32 @!p0 s19, $0xE;
	s18 =	ssub.s32 @!p0 s11, s18;
	s19 =	smul.u32 @!p0 $0x30E0, s13  }
0x3d: {  	s17 =	sand.u32 @!p0 $0x4000, s17;
	s20 =	sand.u32 @!p0 $0x7, s18;
	s18 =	sshrl.u32 @!p0 s18, $0x3  }
0x3e: {  	s1 =	sand.u32 @!p0 $0x3FFFFFFF, s1;
	s19 =	sadd.s32 @!p0 s2, s19;
	s20 =	sshll.u32 @!p0 s20, $0x12  }
0x3f: {  	s18 =	sadd.s32 @!p0 s18, s19;
	s19 =	sor.u32 @!p0 $0x100, s20;
	s20 =	simm.s32 @!p0 $0x18700  }
0x40: {  	[tilespmem:s17], [sflag:$0x1] =	stream.strided.gather @!p0 [hbm4b:s18+s19], s1, s20, s19, $0x38;
	[tilespmem:$0x10000] =	vst v63  }
0x41: {  	p0 =	seq.s32 s14, $0x0  }
0x42: {  	p1 =	sge.u32 @!p0 s14, s8  }
0x43: {  	p0 =	por p0, p1  }
.Ltmp2:
0x44: {  	_ = 	snop;
	(pc) =	sbr.rel @p0 .LBB1_13-.Ltmp2, $1  }
0x45: {  	_ =	sdelay $0x3  }
0x46: {  	p0 =	sgt.s32 s12, $0x88  }
0x47: {  	s1 =	smov.u32 s12;
	s17 =	sshra.s32 s12, $0x1F;
	s18 =	smov.u32 s10  }
0x48: {  	s19 =	sshra.s32 s10, $0x1F;
	s1 =	simm.s32 @!p0 $0x88;
	p0 =	sgt.s32 s10, $0x18600  }
0x49: {  	s17 =	sand.u32 s17, s12;
	s30 =	sand.u32 s19, s10;
	s18 =	simm.s32 @!p0 $0x18600  }
0x4a: {  	s1 =	ssub.s32 s1, s17;
	s17 =	ssub.s32 s18, s30  }
0x4b: {  	s31 =	sadd.s32 $0xFFFFFF78, s1;
	s1 =	ssub.s32 $0xC8, s1;
	s18 =	sadd.s32 $0xFFFE7A00, s17  }
0x4c: {  	p0 =	sgt.s32 s31, $0x3F;
	p1 =	sgt.s32 s18, $0xFF;
	s18 =	sadd.s32 $0x40, s12  }
0x4d: {  	s1 =	simm.s32 @p0 $0x0;
	p0 =	slt.s32 s18, $0xC8  }
0x4e: {  	s17 =	ssub.s32 $0x18700, s17;
	s18 =	simm.s32 @!p0 $0xC8  }
0x4f: {  	s17 =	simm.s32 @p1 $0x0;
	s19 =	ssub.s32 s18, s12  }
0x50: {  	s1 =	smul.u32 s1, s17;
	p0 =	slt.s32 s19, $0x1  }
.Ltmp3:
0x51: {  	_ = 	snop;
	(pc) =	sbr.rel @p0 .LBB1_12-.Ltmp3, $4  }
0x52: {  	s17 =	sand.u32 $0x3FFFFFFF, s1  }
0x53: {  	s20 =	sshll.u32 s14, $0xE;
	_ =	swait.ge [sflag:s5], s17  }
0x54: {  	s20 =	sand.u32 $0x4000, s20;
	s1 =	ssub.s32 $0x0, s17;
	[sflag:s5] =	ssyncset.done $0x0  }
0x55: {  	s18 =	sor.u32 $0x8000, s20;
	[sflag:s5] =	ssyncadd.s32 s1  }
0x56: {  	s1 =	sadd.s32 $0x100, s10  }
0x57: {  	p0 =	slt.s32 s1, $0x186A0  }
0x58: {  	s1 =	simm.s32 @!p0 $0x186A0  }
.Ltmp4:
0x59: {  	s1 =	ssub.s32 s1, s10;
	(pc) =	sbr.rel .LBB1_4-.Ltmp4, $4  }
0x5a: {  	s24 =	sadd.s32 $0xF, s1  }
0x5b: {  	s25 =	simm.s32 $0x0;
	s21 =	sand.u32 $0xFFFFFFF0, s24  }
0x5c: {  	s1 =	sshll.u32 s24, $0x3;
	s22 =	sand.u32 $0xFFFFFF00, s24;
	p0 =	slt.s32 s24, $0x100  }
0x5d: {  	s23 =	sand.u32 $0xFFFFF800, s1;
	s1 =	simm.s32 $0x0;
	p1 =	sge.s32 s22, s21  }
.LBB1_11:
0x5e: {  	s25 =	sadd.s32 $0x1, s25  }
0x5f: {  	p2 =	sne.s32 s25, s19  }
.Ltmp5:
0x60: {  	_ = 	snop;
	(pc) =	sbr.rel @!p2 .LBB1_12-.Ltmp5, $2  }
0x61: {  	_ =	sdelay $0x2  }
0x62: {  	s1 =	sadd.s32 $0x100, s1  }
.LBB1_4:
.Ltmp6:
0x63: {  	(pc) =	sbr.rel @p0 .LBB1_8-.Ltmp6, $3  }
0x64: {  	_ =	sdelay $0x1  }
0x65: {  	s24 =	sshll.u32 s25, $0x7  }
0x66: {  	s27 =	sand.u32 $0x300, s24;
	s26 =	sand.u32 $0x80, s24  }
0x67: {  	s29 =	sshll.u32 s25, $0x8  }
0x68: {  	s24 =	sand.u32 $0x380, s24;
	s28 =	sadd.s32 s29, s20  }
0x69: {  	v1 =	vmov s24;
	v2 =	vld [tilespmem:s28+$0x80]  }
0x6a: {  	v0 =	vmov s26;
	v3 =	vld [tilespmem:s28+$0xF0]  }
0x6b: {  	s29 =	sor.u32 $0x400, s29;
	v4 =	vld [tilespmem:s28+$0x0]  }
0x6c: {  	v5 =	vld [tilespmem:s28+$0x70];
	s0 =	sand.u32 $0x3C00, s29  }
0x6d: {  	v6 =	vld [tilespmem:s28+$0x10];
	s24 =	sadd.s32 s0, s18  }
0x6e: {  	s31 =	sand.u32 $0x3800, s1;
	v7 =	vld [tilespmem:s28+$0x20];
	s30 =	sadd.s32 s27, s24;
	[tilespmem:v1+s24+$0x0 ss:$0x1] =	vst.idx.msk $0xffff, v2  }
0x6f: {  	s9 =	sadd.s32 s31, s18;
	v2 =	vld [tilespmem:s28+$0x30];
	[tilespmem:v0+s30+$0x70 ss:$0x1] =	vst.idx.msk $0xffff, v3  }
0x70: {  	[tilespmem:v1+s9+$0x0 ss:$0x1] =	vst.idx.msk $0xffff, v4;
	s24 =	sadd.s32 s27, s9;
	v3 =	vld [tilespmem:s28+$0x40]  }
0x71: {  	v4 =	vld [tilespmem:s28+$0x50];
	[tilespmem:v0+s24+$0x70 ss:$0x1] =	vst.idx.msk $0xffff, v5  }
0x72: {  	[tilespmem:v0+s24+$0x10 ss:$0x1] =	vst.idx.msk $0xffff, v6;
	v5 =	vld [tilespmem:s28+$0x60]  }
0x73: {  	p2 =	sgt.s32 s22, $0x100;
	[tilespmem:v0+s24+$0x20 ss:$0x1] =	vst.idx.msk $0xffff, v7;
	v7 =	vld [tilespmem:s28+$0x90]  }
.Ltmp7:
0x74: {  	[tilespmem:v0+s24+$0x30 ss:$0x1] =	vst.idx.msk $0xffff, v2;
	v2 =	vld [tilespmem:s28+$0xA0];
	(pc) =	sbr.rel @!p2 .LBB1_7-.Ltmp7, $4  }
0x75: {  	[tilespmem:v0+s24+$0x40 ss:$0x1] =	vst.idx.msk $0xffff, v3;
	v3 =	vld [tilespmem:s28+$0xB0]  }
0x76: {  	v6 =	vld [tilespmem:s28+$0xC0];
	[tilespmem:v0+s24+$0x50 ss:$0x1] =	vst.idx.msk $0xffff, v4  }
0x77: {  	v4 =	vld [tilespmem:s28+$0xD0];
	[tilespmem:v0+s24+$0x60 ss:$0x1] =	vst.idx.msk $0xffff, v5  }
0x78: {  	s31 =	simm.s32 $0x100;
	[tilespmem:v0+s30+$0x10 ss:$0x1] =	vst.idx.msk $0xffff, v7;
	v5 =	vld [tilespmem:s28+$0xE0];
	s24 =	smov.u32 s1  }
.LBB1_6:
0x79: {  	v7 =	vld [tilespmem:s28+$0x80];
	[tilespmem:v0+s30+$0x20 ss:$0x1] =	vst.idx.msk $0xffff, v2  }
0x7a: {  	v2 =	vld [tilespmem:s28+$0xF0];
	[tilespmem:v0+s30+$0x30 ss:$0x1] =	vst.idx.msk $0xffff, v3  }
0x7b: {  	s29 =	sadd.s32 $0x800, s29;
	v3 =	vld [tilespmem:s28+$0x0];
	[tilespmem:v0+s30+$0x40 ss:$0x1] =	vst.idx.msk $0xffff, v6  }
0x7c: {  	s31 =	sadd.s32 $0x100, s31;
	s0 =	sand.u32 $0x3C00, s29;
	v6 =	vld [tilespmem:s28+$0x70];
	[tilespmem:v0+s30+$0x50 ss:$0x1] =	vst.idx.msk $0xffff, v4  }
0x7d: {  	s24 =	sadd.s32 $0x800, s24;
	p2 =	slt.s32 s31, s22;
	s0 =	sadd.s32 s0, s18;
	v4 =	vld [tilespmem:s28+$0x10];
	[tilespmem:v0+s30+$0x60 ss:$0x1] =	vst.idx.msk $0xffff, v5  }
0x7e: {  	s9 =	sand.u32 $0x3800, s24;
	s30 =	sadd.s32 s27, s0;
	v5 =	vld [tilespmem:s28+$0x20];
	[tilespmem:v1+s0+$0x0 ss:$0x1] =	vst.idx.msk $0xffff, v7  }
0x7f: {  	s0 =	sadd.s32 s9, s18;
	v7 =	vld [tilespmem:s28+$0x30];
	[tilespmem:v0+s30+$0x70 ss:$0x1] =	vst.idx.msk $0xffff, v2  }
0x80: {  	[tilespmem:v1+s0+$0x0 ss:$0x1] =	vst.idx.msk $0xffff, v3;
	s0 =	sadd.s32 s27, s0;
	v3 =	vld [tilespmem:s28+$0x40]  }
0x81: {  	v8 =	vld [tilespmem:s28+$0x50];
	[tilespmem:v0+s0+$0x70 ss:$0x1] =	vst.idx.msk $0xffff, v6  }
0x82: {  	[tilespmem:v0+s0+$0x10 ss:$0x1] =	vst.idx.msk $0xffff, v4;
	v4 =	vld [tilespmem:s28+$0x60]  }
0x83: {  	[tilespmem:v0+s0+$0x20 ss:$0x1] =	vst.idx.msk $0xffff, v5;
	v5 =	vld [tilespmem:s28+$0x90]  }
.Ltmp8:
0x84: {  	[tilespmem:v0+s0+$0x30 ss:$0x1] =	vst.idx.msk $0xffff, v7;
	v2 =	vld [tilespmem:s28+$0xA0];
	(pc) =	sbr.rel @p2 .LBB1_6-.Ltmp8, $4  }
0x85: {  	[tilespmem:v0+s0+$0x40 ss:$0x1] =	vst.idx.msk $0xffff, v3;
	v3 =	vld [tilespmem:s28+$0xB0]  }
0x86: {  	[tilespmem:v0+s0+$0x50 ss:$0x1] =	vst.idx.msk $0xffff, v8;
	v6 =	vld [tilespmem:s28+$0xC0]  }
0x87: {  	[tilespmem:v0+s0+$0x60 ss:$0x1] =	vst.idx.msk $0xffff, v4;
	v4 =	vld [tilespmem:s28+$0xD0]  }
0x88: {  	[tilespmem:v0+s30+$0x10 ss:$0x1] =	vst.idx.msk $0xffff, v5;
	v5 =	vld [tilespmem:s28+$0xE0]  }
.LBB1_7:
0x89: {  	_ =	sdelay $0x3  }
0x8a: {  	[tilespmem:v0+s30+$0x20 ss:$0x1] =	vst.idx.msk $0xffff, v2  }
0x8b: {  	[tilespmem:v0+s30+$0x30 ss:$0x1] =	vst.idx.msk $0xffff, v3  }
0x8c: {  	[tilespmem:v0+s30+$0x40 ss:$0x1] =	vst.idx.msk $0xffff, v6  }
0x8d: {  	[tilespmem:v0+s30+$0x50 ss:$0x1] =	vst.idx.msk $0xffff, v4  }
0x8e: {  	[tilespmem:v0+s30+$0x60 ss:$0x1] =	vst.idx.msk $0xffff, v5  }
.LBB1_8:
.Ltmp9:
0x8f: {  	(pc) =	sbr.rel @p1 .LBB1_11-.Ltmp9, $1  }
0x90: {  	_ =	sdelay $0x3  }
0x91: {  	s24 =	sshll.u32 s25, $0xA  }
0x92: {  	s24 =	sshra.s32 s24, $0x2  }
0x93: {  	s29 =	sadd.s32 s24, s20  }
0x94: {  	v0 =	vmov s29;
	_ =	sdelay $0x1  }
0x95: {  	s28 =	sand.u32 $0x3800, s1;
	s27 =	sadd.s32 s27, s18  }
0x96: {  	s26 =	sadd.s32 s26, s27;
	s27 =	smov.u32 s22;
	s24 =	sadd.s32 s28, s23  }
.LBB1_10:
0x97: {  	s0 =	sand.u32 $0xF0, s27;
	s31 =	sand.u32 $0x70, s27;
	s27 =	sadd.s32 $0x10, s27  }
0x98: {  	v1 =	vld.idx.msk [tilespmem:v0+s0+$0x0 ss:$0x1], $0xffff;
	p2 =	slt.s32 s27, s21  }
.Ltmp10:
0x99: {  	_ = 	snop;
	(pc) =	sbr.rel @p2 .LBB1_10-.Ltmp10, $4  }
0x9a: {  	s9 =	sand.u32 $0x3C00, s24  }
0x9b: {  	s9 =	sadd.s32 s9, s26  }
0x9c: {  	s0 =	sadd.s32 s31, s9  }
0x9d: {  	s24 =	sadd.s32 $0x80, s24;
	[tilespmem:s0+$0x0] =	vst v1  }
.Ltmp11:
0x9e: {  	_ = 	snop;
	(pc) =	sbr.rel .LBB1_11-.Ltmp11, $1  }
0x9f: {  	_ =	sdelay $0x3  }
.LBB1_14:
0xa0: {  	_ =	sfence.sel $0x180000  }
0xa1: {  	s0 =	simm.s32 $0x1;
	[bflag:$0x0] =	sbarrier.arrive $0xFFFF  }
0xa2: {  	s30 =	simm.s32 $0x2;
	[sflag:s0] =	ssyncpa.u1 $0x1  }
0xa3: {  	[sflag:s30] =	ssyncpa.u1 $0x1  }
0xa4: {  	_ =	strace $0x90000047  }
0xa5: {  	s31 =	stileid.u32;
	[bflag:$0x2] =	sbarrier.arrive $0xFFFF  }
0xa6: {  	p0 =	sne.s32 s31, $0x0;
	s0 =	rddreg [dreg:$0x2]  }
0xa7: {  	s0 =	sadd.s32 @!p0 $0x100000, s0  }
0xa8: {  	[sflag:s0] =	ssyncadd.tile.s32 @!p0 $0x1;
	_ =	shalt  }
.Lfunc_end1:
_tile_overlayer_lowered:
.L_overlay_start_2:
0xa9: {  	(tag) =	ssettag $0x2  }
0xaa: {  	s0 =	rddreg [dreg:$0x0];
	s2 =	stileid.u32  }
0xab: {  	s1 =	rddreg [dreg:$0x1];
	p0 =	sne.s32 s2, $0x0  }
0xac: {  	s3 =	rddreg [dreg:$0x2];
	[bflag:$0x3] =	sbarrier.arrive $0xFFFF;
	s2 =	simm.s32 @!p0 $0x1C01  }
0xad: {  	[timem:s3], [sflag:s2] =	dma.local @!p0 [hbm:s0], s1  }
0xae: {  	s0 =	simm.s32 @!p0 $0x1  }
0xaf: {  	_ =	swait.ge @!p0 [sflag:s0], s1  }
0xb0: {  	s1 =	ssub.s32 @!p0 $0x0, s1;
	[sflag:s0] =	ssyncset.done @!p0 $0x0  }
0xb1: {  	[sflag:s0] =	ssyncadd.s32 @!p0 s1  }
0xb2: {  	[bflag:$0x3] =	sbarrier.arrive $0xFFFF  }
0xb3: {  	_ =	shalt  }

</sc_bundles>
